<compile_context>
chip_gen: v7x
topology: tpu7x:2x2x1
jax: 0.10.2.dev20260603
libtpu: 0.0.44.dev20260713+nightly
codegen_flags: <defaults>
</compile_context>

<pallas_src>
import functools
import jax
import jax.numpy as jnp
from jax import lax
from jax.experimental import pallas as pl
from jax.experimental.pallas import tpu as pltpu
from jax.experimental.pallas import tpu_sc as plsc

_NC, _NS, _L = 2, 16, 16
_NW = _NC * _NS
_ROWS_TOT = 76 * 2048
_TC_ROWS = 116736
_SC_ROWS = _ROWS_TOT - _TC_ROWS
_PER_W = _SC_ROWS // _NW
_NCH = 2
_CHR = _PER_W // _NCH


def _sc_probe():
    mesh = plsc.VectorSubcoreMesh(core_axis_name="c", subcore_axis_name="s")

    @functools.partial(
        pl.kernel,
        mesh=mesh,
        out_type=jax.ShapeDtypeStruct((_NW, _L), jnp.float32),
        scratch_types=[
            pltpu.VMEM((_CHR, 128), jnp.float32),
            pltpu.VMEM((_L,), jnp.float32),
            pltpu.SemaphoreType.DMA,
        ],
    )
    def k(pred_hbm, out_hbm, buf, out_v, sem):
        wid = lax.axis_index("s") * _NC + lax.axis_index("c")
        base = _TC_ROWS + wid * _PER_W
        for ch in range(_NCH):
            pltpu.sync_copy(pred_hbm.at[pl.ds(base + ch * _CHR, _CHR)], buf)
        out_v[...] = buf[0, pl.ds(0, _L)]
        pltpu.sync_copy(out_v, out_hbm.at[wid])

    return k


def _tc_body(pred_ref, out_ref):
    i = pl.program_id(0)

    @pl.when(i == 0)
    def _init():
        out_ref[...] = jnp.zeros_like(out_ref)

    out_ref[...] += pred_ref[:8, :]


def kernel(pred, target):
    pred2 = pred.reshape(_ROWS_TOT, 128)
    tc_out = pl.pallas_call(
        _tc_body,
        grid=(6,),
        in_specs=[pl.BlockSpec((19456, 128), lambda i: (i, 0))],
        out_specs=pl.BlockSpec((8, 128), lambda i: (0, 0)),
        out_shape=jax.ShapeDtypeStruct((8, 128), jnp.float32),
    )(pred2)
    sc_out = _sc_probe()(pred2)
    return tc_out[0, 0] + jnp.sum(sc_out)

# --- scband reference (transcript-rebuilt; emitter-appended) ---
"""Pipeline reference for scband-prob-ohem-cross-entropy2d-5669356833930 (READ-ONLY COPY).

The authoritative reference and input builder live on the scoring server;
editing this copy changes nothing except your own understanding.
"""

import jax, jax.numpy as jnp
import numpy as np

IGNORE_LABEL = 255
THRESH = 0.6
MIN_KEPT = 100000


def setup_inputs(seed: int = 0) -> dict:
    key = jax.random.key(seed)
    k1, k2 = jax.random.split(key)
    pred = jax.random.normal(k1, (4, 19, 512, 512), dtype=jnp.float32)
    target = jax.random.randint(k2, (4, 512, 512), 0, 19).astype(jnp.int32)
    return {"pred": pred, "target": target}


def _cross_entropy_ignore_mean(pred, target_flat):
    # pred: [B, C, H, W]; target_flat: [B*H*W] with IGNORE_LABEL entries dropped
    b, c, h, w = pred.shape
    logits_flat = jnp.transpose(pred, (0, 2, 3, 1)).reshape(-1, c)
    valid = target_flat != IGNORE_LABEL
    safe_t = jnp.where(valid, target_flat, 0)
    logp = jax.nn.log_softmax(logits_flat, axis=-1)
    nll = -jnp.take_along_axis(logp, safe_t[:, None], axis=-1)[:, 0]
    denom = jnp.maximum(valid.sum(), 1)
    return jnp.where(valid, nll, 0.0).sum() / denom.astype(logp.dtype)


def reference(pred, target):
    b, c, h, w = pred.shape
    target_flat = target.reshape(-1)
    valid_mask = target_flat != IGNORE_LABEL
    target_flat = target_flat * valid_mask.astype(target_flat.dtype)
    num_valid = valid_mask.sum()

    prob = jax.nn.softmax(pred, axis=1)
    prob = jnp.transpose(prob, (1, 0, 2, 3)).reshape(c, -1)

    ohem_cond = jnp.logical_and(MIN_KEPT <= num_valid, num_valid > 0)

    prob_masked = jnp.where(valid_mask[None, :], prob, 1.0)
    mask_prob = prob_masked[target_flat, jnp.arange(target_flat.shape[0])]
    threshold = jnp.asarray(THRESH, dtype=mask_prob.dtype)
    if MIN_KEPT > 0:
        index = jnp.argsort(mask_prob)
        threshold_index = index[min(index.shape[0], MIN_KEPT) - 1]
        tval = mask_prob[threshold_index]
        threshold = jnp.where(tval > THRESH, tval, threshold)
    kept_mask = mask_prob <= threshold
    target_flat_ohem = target_flat * kept_mask.astype(target_flat.dtype)
    valid_mask_ohem = valid_mask & kept_mask

    target_flat = jnp.where(ohem_cond, target_flat_ohem, target_flat)
    valid_mask = jnp.where(ohem_cond, valid_mask_ohem, valid_mask)

    target_flat = jnp.where(valid_mask, target_flat, IGNORE_LABEL)
    return _cross_entropy_ignore_mean(pred, target_flat)

if __name__ == "__main__":
    import jax
    _d = setup_inputs()
    print(jax.jit(kernel)(*tuple(_d.values())))

</pallas_src>

<mosaic_0001>
#map = affine_map<(d0, d1) -> (0, 0)>
module attributes {stable_mosaic.version = 14 : i64} {
  func.func @k(%arg0: i32, %arg1: i32, %arg2: memref<155648x128xf32, #tpu.memory_space<hbm>>, %arg3: memref<32x16xf32, #tpu.memory_space<hbm>>, %arg4: memref<608x128xf32, #tpu.memory_space<vmem>>, %arg5: memref<16xf32, #tpu.memory_space<vmem>>, %arg6: memref<!tpu.dma_semaphore, #tpu.memory_space<semaphore_mem>>) attributes {dimension_semantics = [#tpu.dimension_semantics<core_parallel>, #tpu.dimension_semantics<subcore_parallel>], iteration_bounds = array<i64: 2, 16>, scalar_prefetch = 0 : i64, scratch_operands = 3 : i64, tpu.core_type = #tpu.core_type<sc_vector_subcore>, window_params = [{transform_indices = #map}, {transform_indices = #map}]} {
    %mul3A = arith.constant 2 : i32
    %mul3A_0 = arith.muli %arg1, %mul3A : i32
    %add3A = arith.addi %mul3A_0, %arg0 : i32
    %mul3A_1 = arith.constant 1216 : i32
    %mul3A_2 = arith.muli %add3A, %mul3A_1 : i32
    %add3A_3 = arith.constant 116736 : i32
    %add3A_4 = arith.addi %add3A_3, %mul3A_2 : i32
    %add3A_5 = arith.constant 0 : i32
    %add3A_6 = arith.addi %add3A_4, %add3A_5 : i32
    "tpu.region"() ({
      %run_scoped3A = tpu.sem_alloc : memref<!tpu.dma_semaphore, #tpu.memory_space<semaphore_mem>>
      %dma_start3A = arith.constant 0 : i32
      %dma_start3A_16 = tpu.memref_slice %arg2[%add3A_6, %dma_start3A] : memref<155648x128xf32, #tpu.memory_space<hbm>> -> memref<608x128xf32, #tpu.memory_space<hbm>>
      %dma_start3A_17 = arith.constant 0 : i32
      %dma_start3A_18 = tpu.memref_slice %arg2[%add3A_6, %dma_start3A_17] : memref<155648x128xf32, #tpu.memory_space<hbm>> -> memref<608x128xf32, #tpu.memory_space<hbm>>
      tpu.enqueue_dma source(%dma_start3A_18 : memref<608x128xf32, #tpu.memory_space<hbm>>) target(%arg4 : memref<608x128xf32, #tpu.memory_space<vmem>>) target_semaphore(%run_scoped3A : memref<!tpu.dma_semaphore, #tpu.memory_space<semaphore_mem>>)
      %dma_wait3A = arith.constant 0 : i32
      %dma_wait3A_19 = tpu.memref_slice %arg2[%add3A_6, %dma_wait3A] : memref<155648x128xf32, #tpu.memory_space<hbm>> -> memref<608x128xf32, #tpu.memory_space<hbm>>
      %dma_wait3A_20 = arith.constant 0 : i32
      %dma_wait3A_21 = tpu.memref_slice %arg2[%add3A_6, %dma_wait3A_20] : memref<155648x128xf32, #tpu.memory_space<hbm>> -> memref<608x128xf32, #tpu.memory_space<hbm>>
      tpu.wait_dma2 semaphore(%run_scoped3A : memref<!tpu.dma_semaphore, #tpu.memory_space<semaphore_mem>>) src(%dma_wait3A_21 : memref<608x128xf32, #tpu.memory_space<hbm>>) dst(%arg4 : memref<608x128xf32, #tpu.memory_space<vmem>>)
      tpu.yield
    }) : () -> ()
    %add3A_7 = arith.constant 608 : i32
    %add3A_8 = arith.addi %add3A_4, %add3A_7 : i32
    "tpu.region"() ({
      %run_scoped3A = tpu.sem_alloc : memref<!tpu.dma_semaphore, #tpu.memory_space<semaphore_mem>>
      %dma_start3A = arith.constant 0 : i32
      %dma_start3A_16 = tpu.memref_slice %arg2[%add3A_8, %dma_start3A] : memref<155648x128xf32, #tpu.memory_space<hbm>> -> memref<608x128xf32, #tpu.memory_space<hbm>>
      %dma_start3A_17 = arith.constant 0 : i32
      %dma_start3A_18 = tpu.memref_slice %arg2[%add3A_8, %dma_start3A_17] : memref<155648x128xf32, #tpu.memory_space<hbm>> -> memref<608x128xf32, #tpu.memory_space<hbm>>
      tpu.enqueue_dma source(%dma_start3A_18 : memref<608x128xf32, #tpu.memory_space<hbm>>) target(%arg4 : memref<608x128xf32, #tpu.memory_space<vmem>>) target_semaphore(%run_scoped3A : memref<!tpu.dma_semaphore, #tpu.memory_space<semaphore_mem>>)
      %dma_wait3A = arith.constant 0 : i32
      %dma_wait3A_19 = tpu.memref_slice %arg2[%add3A_8, %dma_wait3A] : memref<155648x128xf32, #tpu.memory_space<hbm>> -> memref<608x128xf32, #tpu.memory_space<hbm>>
      %dma_wait3A_20 = arith.constant 0 : i32
      %dma_wait3A_21 = tpu.memref_slice %arg2[%add3A_8, %dma_wait3A_20] : memref<155648x128xf32, #tpu.memory_space<hbm>> -> memref<608x128xf32, #tpu.memory_space<hbm>>
      tpu.wait_dma2 semaphore(%run_scoped3A : memref<!tpu.dma_semaphore, #tpu.memory_space<semaphore_mem>>) src(%dma_wait3A_21 : memref<608x128xf32, #tpu.memory_space<hbm>>) dst(%arg4 : memref<608x128xf32, #tpu.memory_space<vmem>>)
      tpu.yield
    }) : () -> ()
    %get3A = arith.constant 0 : i32
    %get3A_9 = arith.index_cast %get3A : i32 to index
    %get3A_10 = arith.constant 0 : index
    %get3A_11 = tpu.vector_load %arg4[%get3A_9, %get3A_10] {strides = array<i32>} : memref<608x128xf32, #tpu.memory_space<vmem>>, vector<1x16xf32>,
    %get3A_12 = vector.shape_cast %get3A_11 : vector<1x16xf32> to vector<16xf32>
    %swap3A = arith.constant 0 : index
    %swap3A_13 = tpu.vector_load %arg5[%swap3A] {strides = array<i32>} : memref<16xf32, #tpu.memory_space<vmem>>, vector<16xf32>,
    %swap3A_14 = vector.shape_cast %swap3A_13 : vector<16xf32> to vector<16xf32>
    %swap3A_15 = vector.shape_cast %get3A_12 : vector<16xf32> to vector<16xf32>
    tpu.vector_store %arg5[%swap3A], %swap3A_15 {strides = array<i32>} : memref<16xf32, #tpu.memory_space<vmem>>, vector<16xf32>,
    "tpu.region"() ({
      %run_scoped3A = tpu.sem_alloc : memref<!tpu.dma_semaphore, #tpu.memory_space<semaphore_mem>>
      %dma_start3A = arith.constant 0 : i32
      %dma_start3A_16 = tpu.memref_slice %arg3[%add3A, %dma_start3A] : memref<32x16xf32, #tpu.memory_space<hbm>> -> memref<1x16xf32, #tpu.memory_space<hbm>>
      %dma_start3A_17 = tpu.memref_squeeze %dma_start3A_16 : memref<1x16xf32, #tpu.memory_space<hbm>> -> memref<16xf32, #tpu.memory_space<hbm>>
      %dma_start3A_18 = arith.constant 0 : i32
      %dma_start3A_19 = tpu.memref_slice %arg3[%add3A, %dma_start3A_18] : memref<32x16xf32, #tpu.memory_space<hbm>> -> memref<1x16xf32, #tpu.memory_space<hbm>>
      %dma_start3A_20 = tpu.memref_squeeze %dma_start3A_19 : memref<1x16xf32, #tpu.memory_space<hbm>> -> memref<16xf32, #tpu.memory_space<hbm>>
      tpu.enqueue_dma source(%arg5 : memref<16xf32, #tpu.memory_space<vmem>>) target(%dma_start3A_20 : memref<16xf32, #tpu.memory_space<hbm>>) target_semaphore(%run_scoped3A : memref<!tpu.dma_semaphore, #tpu.memory_space<semaphore_mem>>)
      %dma_wait3A = arith.constant 0 : i32
      %dma_wait3A_21 = tpu.memref_slice %arg3[%add3A, %dma_wait3A] : memref<32x16xf32, #tpu.memory_space<hbm>> -> memref<1x16xf32, #tpu.memory_space<hbm>>
      %dma_wait3A_22 = tpu.memref_squeeze %dma_wait3A_21 : memref<1x16xf32, #tpu.memory_space<hbm>> -> memref<16xf32, #tpu.memory_space<hbm>>
      %dma_wait3A_23 = arith.constant 0 : i32
      %dma_wait3A_24 = tpu.memref_slice %arg3[%add3A, %dma_wait3A_23] : memref<32x16xf32, #tpu.memory_space<hbm>> -> memref<1x16xf32, #tpu.memory_space<hbm>>
      %dma_wait3A_25 = tpu.memref_squeeze %dma_wait3A_24 : memref<1x16xf32, #tpu.memory_space<hbm>> -> memref<16xf32, #tpu.memory_space<hbm>>
      tpu.wait_dma2 semaphore(%run_scoped3A : memref<!tpu.dma_semaphore, #tpu.memory_space<semaphore_mem>>) src(%arg5 : memref<16xf32, #tpu.memory_space<vmem>>) dst(%dma_wait3A_25 : memref<16xf32, #tpu.memory_space<hbm>>)
      tpu.yield
    }) : () -> ()
    return
  }
}

module attributes {stable_mosaic.version = 14 : i64} {
  func.func @_tc_body(%arg0: i32, %arg1: memref<19456x128xf32, #tpu.memory_space<vmem>>, %arg2: memref<8x128xf32, #tpu.memory_space<vmem>>) attributes {dimension_semantics = [#tpu.dimension_semantics<arbitrary>], iteration_bounds = array<i64: 6>, scalar_prefetch = 0 : i64, scratch_operands = 0 : i64, tpu.core_type = #tpu.core_type<tc>, window_params = [{transform_indices = @transform_0, window_bounds = array<i64: 19456, 128>}, {pipeline_mode = #tpu.pipeline_mode<synchronous>, transform_indices = @transform_1, window_bounds = array<i64: 8, 128>}]} {
    %eq3A = arith.constant 0 : i32
    %eq3A_0 = arith.cmpi eq, %arg0, %eq3A : i32
    %convert_element_type3A = arith.extui %eq3A_0 : i1 to i32
    %cond3A = arith.constant 0 : i32
    %cond3A_1 = arith.cmpi ne, %convert_element_type3A, %cond3A : i32
    scf.if %cond3A_1 {
      %broadcast_in_dim3A = arith.constant 0.000000e+00 : f32
      %broadcast_in_dim3A_9 = vector.broadcast %broadcast_in_dim3A : f32 to vector<8x128xf32>
      %swap3A_10 = arith.constant 0 : index
      %swap3A_11 = arith.constant 0 : index
      %swap3A_12 = vector.load %arg2[%swap3A_10, %swap3A_11] : memref<8x128xf32, #tpu.memory_space<vmem>>, vector<8x128xf32>
      tpu.vector_store %arg2[%swap3A_10, %swap3A_11], %broadcast_in_dim3A_9 {strides = array<i32>} : memref<8x128xf32, #tpu.memory_space<vmem>>, vector<8x128xf32>,
    } else {
    }
    %get3A = arith.constant 0 : index
    %get3A_2 = arith.constant 0 : index
    %get3A_3 = vector.load %arg2[%get3A, %get3A_2] : memref<8x128xf32, #tpu.memory_space<vmem>>, vector<8x128xf32>
    %get3A_4 = arith.constant 0 : index
    %get3A_5 = arith.constant 0 : index
    %get3A_6 = vector.load %arg1[%get3A_4, %get3A_5] : memref<19456x128xf32, #tpu.memory_space<vmem>>, vector<8x128xf32>
    %add3A = arith.addf %get3A_3, %get3A_6 : vector<8x128xf32>
    %swap3A = arith.constant 0 : index
    %swap3A_7 = arith.constant 0 : index
    %swap3A_8 = vector.load %arg2[%swap3A, %swap3A_7] : memref<8x128xf32, #tpu.memory_space<vmem>>, vector<8x128xf32>
    tpu.vector_store %arg2[%swap3A, %swap3A_7], %add3A {strides = array<i32>} : memref<8x128xf32, #tpu.memory_space<vmem>>, vector<8x128xf32>,
    return
  }
  func.func @transform_0(%arg0: i32) -> (i32, i32) {
    %c0_i32 = arith.constant 0 : i32
    %c0_i32_0 = arith.constant 0 : i32
    return %arg0, %c0_i32 : i32, i32
  }
  func.func @transform_1(%arg0: i32) -> (i32, i32) {
    %c0_i32 = arith.constant 0 : i32
    %c0_i32_0 = arith.constant 0 : i32
    %c0_i32_1 = arith.constant 0 : i32
    return %c0_i32, %c0_i32_0 : i32, i32
  }
}

</mosaic_0001>

<sc_bundles>
// kernel: kernel.4.cloned.1.call-start
scs
__scs_entry_jumppad:
0x0: {  	(pc) =	sbr.rel $0x88, $3  }
0x1: {  	(tag) =	ssettag $0x0;
	lr =	simm.s32 $0x1  }
0x2: {  	[smem:$0x3FA0] =	sst lr;
	_ =	strace $0xD0000000  }
0x3: {  	_ = 	snop  }
0x4: {  	_ = 	snop  }
0x5: {  	_ = 	snop  }
0x6: {  	_ = 	snop  }
0x7: {  	_ = 	snop  }
__scs_overlays_trampoline_lowered:
0x8: {  	[smem:$0x3FAF] =	sst s0  }
0x9: {  	[smem:$0x3FB0] =	sst s1  }
0xa: {  	[smem:$0x3FB1] =	sst s2  }
0xb: {  	[smem:$0x3FB2] =	sst s3  }
0xc: {  	[smem:$0x3FB3] =	sst s4  }
0xd: {  	[smem:$0x3FB4] =	sst s5  }
0xe: {  	[smem:$0x3FB5] =	sst s6  }
0xf: {  	[smem:$0x3FB6] =	sst s7  }
0x10: {  	[smem:$0x3FB7] =	sst s8  }
0x11: {  	[smem:$0x3FB8] =	sst s9;
	s0 =	simm.s32 @!p0 $0x0  }
0x12: {  	s1 =	sld [smem:$0x3F9E];
	s0 =	simm.s32 @p0 $0x1  }
0x13: {  	[smem:$0x3FB9] =	sst s0;
	s0 =	simm.s32 @!p1 $0x0  }
0x14: {  	s2 =	sld [smem:$0x3F9D];
	s0 =	simm.s32 @p1 $0x1  }
0x15: {  	[smem:$0x3FBA] =	sst s0;
	s0 =	simm.s32 @!p2 $0x0  }
0x16: {  	s3 =	sld [smem:$0x3FDB];
	s0 =	simm.s32 @p2 $0x1  }
0x17: {  	s4 =	simm.s32 $0x1BF5;
	[smem:$0x3FBC] =	sst s0  }
0x18: {  	s0 =	sld [smem:$0x3F9F];
	_ =	swait.ge [sflag:s4], $0x0  }
0x19: {  	s7 =	sld [smem:$0x3FA0]  }
0x1a: {  	s8 =	sadd.s32 $0xFFFFE003, lr  }
0x1b: {  	s9 =	sadd.s32 $0xFFFFFEF7, lr;
	s5 =	simm.s32 $0xFFFFFFFF;
	p2 =	slt.u32 s8, $0xFFFFF086  }
0x1c: {  	p1 =	slt.u32 s9, $0xF7A;
	s5 =	simm.s32 @!p2 $0x0  }
0x1d: {  	s5 =	simm.s32 @p1 $0x1;
	p0 =	seq.s32 s7, s2  }
0x1e: {  	s7 =	smul.u32 @!p0 $0xF7A, s2;
	p2 =	seq.s32 @!p0 s5, $0x0  }
0x1f: {  	s9 =	smul.u32 $0xF7A, s1;
	s8 =	simm.s32 @!p0 $0x1BF5;
	p2 =	por !p2, p0  }
0x20: {  	[sflag:s8] =	ssyncset.s32 @!p0 $0xFFFFF086;
	s6 =	sadd.s32 @!p0 s3, s7;
	s7 =	simm.s32 @!p0 $0x108  }
0x21: {  	s3 =	sadd.s32 s3, s9;
	s6 =	sadd.s32 @!p0 $0x88, s6;
	s7 =	simm.s32 @p2 $0x1082  }
0x22: {  	[simem:s7], [sflag:s8] =	dma.local @!p0 [hbm:s6], $0xF7A  }
0x23: {  	s9 =	sor.u32 $0xD0000000, s2;
	s6 =	simm.s32 $0x108;
	_ =	swait.ge @!p0 [sflag:s8], $0x0  }
0x24: {  	s3 =	sadd.s32 $0x88, s3;
	s6 =	simm.s32 @!p1 $0x1082;
	[sflag:s4] =	ssyncset.s32 $0xFFFFF086  }
0x25: {  	[simem:s6], [sflag:s4] =	dma.local [hbm:s3], $0xF7A  }
0x26: {  	[smem:$0x3FA0] =	sst s1;
	(tag) =	ssettag s2;
	_ =	strace s9  }
0x27: {  	s1 =	sld [smem:$0x3FB0]  }
0x28: {  	s2 =	sld [smem:$0x3FB1]  }
0x29: {  	s4 =	sld [smem:$0x3FB3]  }
0x2a: {  	p0 =	seq.s32 s5, $0x0;
	s5 =	sld [smem:$0x3FB4]  }
0x2b: {  	s6 =	sld [smem:$0x3FB5]  }
0x2c: {  	s7 =	sld [smem:$0x3FB6]  }
0x2d: {  	s3 =	simm.s32 $0x108;
	s8 =	sld [smem:$0x3FB7]  }
0x2e: {  	s3 =	simm.s32 @!p0 $0x1082;
	s9 =	sld [smem:$0x3FB8]  }
0x2f: {  	lr =	sadd.s32 s0, s3;
	s0 =	sld [smem:$0x3FAF]  }
0x30: {  	s3 =	sld [smem:$0x3FB2]  }
0x31: {  	[smem:$0x3FBB] =	sst s10  }
0x32: {  	s10 =	sld [smem:$0x3FB9];
	_ =	sdelay $0x3  }
0x33: {  	p0 =	seq.s32 s10, $0x1;
	s10 =	sld [smem:$0x3FBB];
	_ =	sdelay $0x3  }
0x34: {  	[smem:$0x3FBB] =	sst s10  }
0x35: {  	s10 =	sld [smem:$0x3FBA];
	_ =	sdelay $0x3  }
0x36: {  	p1 =	seq.s32 s10, $0x1;
	s10 =	sld [smem:$0x3FBB];
	_ =	sdelay $0x3  }
0x37: {  	[smem:$0x3FBB] =	sst s10  }
0x38: {  	s10 =	sld [smem:$0x3FBC]  }
0x39: {  	_ = 	snop;
	(pc) =	sbr.ind lr, $3  }
0x3a: {  	_ = 	snop  }
0x3b: {  	_ = 	snop  }
0x3c: {  	p2 =	seq.s32 s10, $0x1;
	s10 =	sld [smem:$0x3FBB]  }
0x3d: {  	_ =	shalt  }
0x3e: {  	_ =	shalt  }
0x3f: {  	_ =	shalt  }
0x40: {  	_ =	shalt  }
0x41: {  	_ =	shalt  }
0x42: {  	_ =	shalt  }
0x43: {  	_ =	shalt  }
0x44: {  	_ =	shalt  }
0x45: {  	_ =	shalt  }
0x46: {  	_ =	shalt  }
0x47: {  	_ =	shalt  }
0x48: {  	_ =	shalt  }
0x49: {  	_ =	shalt  }
0x4a: {  	_ =	shalt  }
0x4b: {  	_ =	shalt  }
0x4c: {  	_ =	shalt  }
0x4d: {  	_ =	shalt  }
0x4e: {  	_ =	shalt  }
0x4f: {  	_ =	shalt  }
0x50: {  	_ =	shalt  }
0x51: {  	_ =	shalt  }
0x52: {  	_ =	shalt  }
0x53: {  	_ =	shalt  }
0x54: {  	_ =	shalt  }
0x55: {  	_ =	shalt  }
0x56: {  	_ =	shalt  }
0x57: {  	_ =	shalt  }
0x58: {  	_ =	shalt  }
0x59: {  	_ =	shalt  }
0x5a: {  	_ =	shalt  }
0x5b: {  	_ =	shalt  }
0x5c: {  	_ =	shalt  }
0x5d: {  	_ =	shalt  }
0x5e: {  	_ =	shalt  }
0x5f: {  	_ =	shalt  }
0x60: {  	_ =	shalt  }
0x61: {  	_ =	shalt  }
0x62: {  	_ =	shalt  }
0x63: {  	_ =	shalt  }
0x64: {  	_ =	shalt  }
0x65: {  	_ =	shalt  }
0x66: {  	_ =	shalt  }
0x67: {  	_ =	shalt  }
0x68: {  	_ =	shalt  }
0x69: {  	_ =	shalt  }
0x6a: {  	_ =	shalt  }
0x6b: {  	_ =	shalt  }
0x6c: {  	_ =	shalt  }
0x6d: {  	_ =	shalt  }
0x6e: {  	_ =	shalt  }
0x6f: {  	_ =	shalt  }
0x70: {  	_ =	shalt  }
0x71: {  	_ =	shalt  }
0x72: {  	_ =	shalt  }
0x73: {  	_ =	shalt  }
0x74: {  	_ =	shalt  }
0x75: {  	_ =	shalt  }
0x76: {  	_ =	shalt  }
0x77: {  	_ =	shalt  }
0x78: {  	_ =	shalt  }
0x79: {  	_ =	shalt  }
0x7a: {  	_ =	shalt  }
0x7b: {  	_ =	shalt  }
0x7c: {  	_ =	shalt  }
0x7d: {  	_ =	shalt  }
0x7e: {  	_ =	shalt  }
0x7f: {  	_ =	shalt  }
0x80: {  	_ =	shalt  }
0x81: {  	_ =	shalt  }
0x82: {  	_ =	shalt  }
0x83: {  	_ =	shalt  }
0x84: {  	_ =	shalt  }
0x85: {  	_ =	shalt  }
0x86: {  	_ =	shalt  }
0x87: {  	_ =	shalt  }
.Lfunc_end0:
.L_simem_size_0:
called_computation_lowered:
.L_overlay_start_0:
0x88: {  	s2 =	sld [smem:$0x3FD9]  }
0x89: {  	s3 =	sld [smem:$0x3FFE];
	_ =	sdelay $0x1  }
0x8a: {  	s1 =	srdreg.scid  }
0x8b: {  	s0 =	sand.u32 $0x1, s1  }
0x8c: {  	s16 =	sshll.u32 s0, $0xA;
	s2 =	sadd.s32 s3, s2  }
0x8d: {  	s2 =	sadd.s32 s2, s16  }
0x8e: {  	[smem:$0x3FC7] =	sst s2  }
0x8f: {  	_ = 	snop  }
0x90: {  	(tm) =	ssettm $0x1  }
0x91: {  	s17 =	sld [smem:$0x3FFB];
	_ =	sdelay $0x3  }
0x92: {  	_ =	strace s17  }
0x93: {  	s2 =	sld [smem:$0x3FFC];
	_ =	sdelay $0x3  }
0x94: {  	_ =	strace s2  }
0x95: {  	s2 =	sld [smem:$0x3FFD];
	_ =	sdelay $0x3  }
0x96: {  	_ =	strace s2  }
0x97: {  	_ =	strace $0x8FFFFFFF  }
0x98: {  	s18 =	sld [smem:$0x3FDB];
	_ =	sdelay $0x1  }
0x99: {  	s19 =	simm.s32 $_scs_section_size  }
0x9a: {  	s4 =	simm.s32 $_size__tile_overlayer_lowered;
	s5 =	simm.s32 $_tile_overlayer_lowered  }
0x9b: {  	s22 =	simm.s32 $0x1BFF;
	s21 =	sshll.u32 s5, $0x1;
	s2 =	sadd.s32 s19, s18  }
0x9c: {  	s6 =	simm.s32 $0x0;
	s20 =	sshll.u32 s4, $0x1;
	s4 =	sadd.s32 s21, s2  }
0x9d: {  	[timem:s6], [sflag:s22] =	dma.local [hbm:s4], s20  }
0x9e: {  	_ =	swait.ge [sflag:s22], s20  }
0x9f: {  	s3 =	ssub.s32 $0x0, s20;
	[sflag:s22] =	ssyncset.done $0x0  }
0xa0: {  	[sflag:s22] =	ssyncadd.s32 s3;
	_ =	sdelay $0x1  }
0xa1: {  	s23 =	simm.s32 $0x1B8B  }
0xa2: {  	_ =	swait.ge [sflag:s23], $0x1  }
0xa3: {  	[sflag:s23] =	ssyncset.done $0x0  }
0xa4: {  	s25 =	simm.s32 $0x1B8E;
	s24 =	sld [smem:$0x3FFE];
	[sflag:s23] =	ssyncadd.s32 $0xFFFFFFFF  }
0xa5: {  	s26 =	simm.s32 $execute0_lowered;
	[smem:$0x3FD2] =	sst s25  }
0xa6: {  	s4 =	sshll.u32 s26, $0x1;
	_ =	strace $0x80000046;
	[dreg:$0x1] =	wrdreg $0xFFFFFFFF  }
0xa7: {  	s28 =	simm.s32 $_size_execute0_lowered;
	s2 =	sadd.s32 s2, s4;
	[dreg:$0x0] =	wrdreg $0x0  }
0xa8: {  	s4 =	sshll.u32 s28, $0x1;
	[dreg:$0x2] =	wrdreg s2  }
0xa9: {  	[dreg:$0x3] =	wrdreg s4  }
0xaa: {  	[dreg:$0x4] =	wrdreg $0xC0  }
0xab: {  	_ =	task [dreg:s6], $0x5FFFF  }
0xac: {  	[dreg:$0x1] =	wrdreg $0xFFFFFFFF  }
0xad: {  	[dreg:$0x0] =	wrdreg $0x60  }
0xae: {  	[dreg:$0x2] =	wrdreg s24  }
0xaf: {  	[dreg:$0x3] =	wrdreg $0x9  }
0xb0: {  	_ =	task.clear_ibuf [dreg:s6], $0x4FFFF;
	_ =	strace $0x90000046  }
0xb1: {  	s29 =	simm.s32 $0x9;
	_ =	strace $0x80000048  }
0xb2: {  	_ =	swait.ge [sflag:s29], $0x1  }
0xb3: {  	[sflag:s29] =	ssyncadd.s32 $0xFFFFFFFF  }
0xb4: {  	_ =	strace $0x90000048  }
0xb5: {  	_ =	sfence  }
0xb6: {  	s30 =	sld [smem:$0x0];
	_ =	sdelay $0x2  }
0xb7: {  	s31 =	sshll.u32 s1, $0xD;
	s1 =	sshrl.u32 s1, $0x2  }
0xb8: {  	s3 =	sand.u32 $0x4000, s31;
	s1 =	sadd.s32 s1, s30  }
0xb9: {  	s0 =	sor.u32 s3, s0;
	s1 =	sshll.u32 s1, $0x11  }
0xba: {  	s0 =	sor.u32 s1, s0  }
0xbb: {  	s0 =	sadd.s32 $0x8F2B, s0  }
0xbc: {  	[sflag:s0] =	ssyncadd.remote.s32 $0x1  }
0xbd: {  	_ =	sfence.sel $0xFFFF  }
0xbe: {  	[dreg:$0x0] =	wrdreg $0xFFFFFFFF;
	(pc) =	sbr.abs _section_cstart, $3  }
0xbf: {  	[dreg:$0x1] =	wrdreg $0xFFFFFFFF  }
0xc0: {  	_ =	task.clear_ibuf [dreg:s6], $0x2FFFF;
	_ =	strace $0x9FFFFFFF  }
0xc1: {  	(tm) =	ssettm $0x7FFFFFFF  }
tec
execute0_lowered:
.L_overlay_start_1:
0x0: {  	(tag) =	ssettag $0x1  }
0x1: {  	s1 =	srdreg.scid;
	s0 =	stileid.u32  }
0x2: {  	s6 =	sand.u32 $0x1, s1;
	s30 =	sshll.u32 s0, $0x1  }
0x3: {  	s7 =	sor.u32 s6, s30  }
0x4: {  	s3 =	smul.u32 $0x26000, s7  }
0x5: {  	s8 =	rddreg [dreg:$0x0]  }
0x6: {  	s2 =	simm.s32 $0x0;
	s1 =	rddreg [dreg:$0x1];
	s3 =	sshrl.u32 s3, $0x3  }
0x7: {  	[smem:$0x7FF] =	sst s2;
	s5 =	sadd.s32 s8, s3  }
0x8: {  	_ =	strace $0x80000047;
	s3 =	simm.s32 $0x1;
	s4 =	sadd.s32 $0x1C8000, s5  }
0x9: {  	[tilespmem:s2], [sflag:$0x1] =	stream.linear.gather [hbm4b:s4+s2], $0x13000, $0x38;
	[tilespmem:$0x13080] =	vst v63  }
0xa: {  	_ =	swait.ge [sflag:s3], $0x13000  }
0xb: {  	[sflag:s3] =	ssyncset.done $0x0  }
0xc: {  	s5 =	sadd.s32 $0x1CA600, s5;
	[sflag:s3] =	ssyncadd.s32 $0xFFFED000  }
0xd: {  	[tilespmem:s2], [sflag:$0x1] =	stream.linear.gather [hbm4b:s5+s2], $0x13000, $0x38;
	[tilespmem:$0x13080] =	vst v63  }
0xe: {  	_ =	swait.ge [sflag:s3], $0x13000  }
0xf: {  	[sflag:s3] =	ssyncset.done $0x0  }
0x10: {  	s6 =	ssub.s32 $0x2, s6;
	[sflag:s3] =	ssyncadd.s32 $0xFFFED000  }
0x11: {  	s9 =	sshrl.u32 s6, $0x1;
	v0 =	vld [tilespmem:$0x0]  }
0x12: {  	s7 =	sshll.u32 s7, $0x4;
	s31 =	ssub.s32 s6, s9  }
0x13: {  	s7 =	sadd.s32 s7, s8;
	s8 =	smax.u32 s31, $0x1  }
0x14: {  	p0 =	sne.s32 s8, $0x1  }
.Ltmp0:
0x15: {  	_ = 	snop;
	(pc) =	sbr.rel @!p0 .LBB2_2-.Ltmp0, $4  }
0x16: {  	s6 =	sadd.s32 $0x260000, s7;
	s7 =	simm.s32 $0x13000;
	[tilespmem:$0x13000] =	vst v0  }
0x17: {  	[hbm4b:s6+s2] =	stream.linear.scatter [tilespmem:s7], [sflag:$0x1], $0x80, $0x38;
	[tilespmem:$0x13080] =	vst v63  }
0x18: {  	_ =	swait.ge [sflag:s3], $0x80  }
0x19: {  	s8 =	sadd.s32 $0xFFFFFFFF, s8;
	[sflag:s3] =	ssyncset.done $0x0  }
.LBB2_1:
0x1a: {  	p0 =	sne.s32 s8, $0x1;
	s8 =	sadd.s32 $0xFFFFFFFF, s8;
	[sflag:s3] =	ssyncadd.s32 $0xFFFFFF80  }
0x1b: {  	[tilespmem:s2], [sflag:$0x1] =	stream.linear.gather [hbm4b:s4+s2], $0x13000, $0x38;
	[tilespmem:$0x13080] =	vst v63  }
0x1c: {  	_ =	swait.ge [sflag:s3], $0x13000  }
0x1d: {  	[sflag:s3] =	ssyncset.done $0x0  }
0x1e: {  	[sflag:s3] =	ssyncadd.s32 $0xFFFED000  }
0x1f: {  	[tilespmem:s2], [sflag:$0x1] =	stream.linear.gather [hbm4b:s5+s2], $0x13000, $0x38;
	[tilespmem:$0x13080] =	vst v63  }
0x20: {  	_ =	swait.ge [sflag:s3], $0x13000  }
0x21: {  	[sflag:s3] =	ssyncset.done $0x0  }
0x22: {  	[sflag:s3] =	ssyncadd.s32 $0xFFFED000  }
0x23: {  	v0 =	vld [tilespmem:$0x0];
	_ =	sdelay $0x3  }
.Ltmp1:
0x24: {  	(pc) =	sbr.rel @p0 .LBB2_1-.Ltmp1, $4  }
0x25: {  	[tilespmem:$0x13000] =	vst v0  }
0x26: {  	[hbm4b:s6+s2] =	stream.linear.scatter [tilespmem:s7], [sflag:$0x1], $0x80, $0x38;
	[tilespmem:$0x13080] =	vst v63  }
0x27: {  	_ =	swait.ge [sflag:s3], $0x80  }
0x28: {  	[sflag:s3] =	ssyncset.done $0x0  }
.LBB2_2:
0x29: {  	[sflag:s3] =	ssyncadd.s32 $0xFFFFFF80  }
0x2a: {  	_ =	sfence.sel $0x180000  }
0x2b: {  	[bflag:$0x0] =	sbarrier.arrive $0xFFFF  }
0x2c: {  	p0 =	sne.s32 s0, $0x0;
	_ =	strace $0x90000047  }
0x2d: {  	s0 =	sadd.s32 @!p0 $0x100000, s1;
	[bflag:$0x2] =	sbarrier.arrive $0xFFFF  }
0x2e: {  	[sflag:s0] =	ssyncadd.tile.s32 @!p0 $0x1;
	_ =	shalt  }
.Lfunc_end2:
_tile_overlayer_lowered:
.L_overlay_start_2:
0x2f: {  	(tag) =	ssettag $0x2  }
0x30: {  	s0 =	rddreg [dreg:$0x0];
	s2 =	stileid.u32  }
0x31: {  	s1 =	rddreg [dreg:$0x1];
	p0 =	sne.s32 s2, $0x0  }
0x32: {  	s3 =	rddreg [dreg:$0x2];
	[bflag:$0x3] =	sbarrier.arrive $0xFFFF;
	s2 =	simm.s32 @!p0 $0x1C01  }
0x33: {  	[timem:s3], [sflag:s2] =	dma.local @!p0 [hbm:s0], s1  }
0x34: {  	s0 =	simm.s32 @!p0 $0x1  }
0x35: {  	_ =	swait.ge @!p0 [sflag:s0], s1  }
0x36: {  	s1 =	ssub.s32 @!p0 $0x0, s1;
	[sflag:s0] =	ssyncset.done @!p0 $0x0  }
0x37: {  	[sflag:s0] =	ssyncadd.s32 @!p0 s1  }
0x38: {  	[bflag:$0x3] =	sbarrier.arrive $0xFFFF  }
0x39: {  	_ =	shalt  }

</sc_bundles>
